<compile_context>
chip_gen: v7x
topology: tpu7x:2x2x1
jax: 0.10.2.dev20260603
libtpu: 0.0.44.dev20260713+nightly
codegen_flags: <defaults>
</compile_context>

<pallas_src>
import functools

import jax
import jax.numpy as jnp
from jax import lax
from jax.experimental import pallas as pl
from jax.experimental.pallas import tpu as pltpu
from jax.experimental.pallas import tpu_sc as plsc

N = 10000
D = 128
E = 320000
NC, NS, L = 2, 16, 16
NW = NC * NS
NPAD = 10240
CHUNK = 32
RING = 10
BLK = 20
NBLK = 16
TCH = NBLK * BLK
TE = TCH * CHUNK
EPAD = NW * TE
IB = BLK * CHUNK
RPT = NPAD // NS
NB = 1280
GRID = NPAD // NB



def _deg_body(src_hbm, dst_hbm, out_hbm, sidx_v, didx_v, hist_s, hist_d):
    c = lax.axis_index("c")
    s = lax.axis_index("s")
    w = c * NS + s
    z16 = jnp.zeros((L,), jnp.float32)

    @pl.loop(0, NPAD // L)
    def _zero(i):
        hist_s[pl.ds(i * L, L)] = z16
        hist_d[pl.ds(i * L, L)] = z16

    pltpu.sync_copy(src_hbm.at[pl.ds(w * TE, TE)], sidx_v)
    pltpu.sync_copy(dst_hbm.at[pl.ds(w * TE, TE)], didx_v)
    ones16 = jnp.ones((L,), jnp.float32)

    @pl.loop(0, TE // L)
    def _hist(i):
        plsc.addupdate_scatter(hist_s, [sidx_v[pl.ds(i * L, L)]], ones16)
        plsc.addupdate_scatter(hist_d, [didx_v[pl.ds(i * L, L)]], ones16)

    pltpu.sync_copy(hist_s, out_hbm.at[w, 0])
    pltpu.sync_copy(hist_d, out_hbm.at[w, 1])


@jax.jit
def _deg_call(src1, dst1):
    mesh = plsc.VectorSubcoreMesh(core_axis_name="c", subcore_axis_name="s",
                                  num_cores=NC, num_subcores=NS)
    return pl.kernel(
        _deg_body,
        out_type=jax.ShapeDtypeStruct((NW, 2, NPAD), jnp.float32),
        mesh=mesh,
        scratch_types=[
            pltpu.VMEM((TE,), jnp.int32),
            pltpu.VMEM((TE,), jnp.int32),
            pltpu.VMEM((NPAD,), jnp.float32),
            pltpu.VMEM((NPAD,), jnp.float32),
        ],
        compiler_params=pltpu.CompilerParams(needs_layout_passes=False),
    )(src1, dst1)



def _msg_body(g_hbm, src_hbm, dst_hbm, out_hbm, sa_v, da_v, sb_v, db_v,
              r0_v, r1_v, r2_v, r3_v, r4_v, r5_v, r6_v, r7_v, r8_v, r9_v,
              acc_sh, s0, s1, s2, s3, s4, s5, s6, s7, s8, s9,
              ia, ib):
    c = lax.axis_index("c")
    s = lax.axis_index("s")
    w = c * NS + s
    z16 = jnp.zeros((L,), jnp.float32)
    rings = (r0_v, r1_v, r2_v, r3_v, r4_v, r5_v, r6_v, r7_v, r8_v, r9_v)
    rsems = (s0, s1, s2, s3, s4, s5, s6, s7, s8, s9)

    def _iblk(b):
        return pl.ds((w * (NBLK + 1) + b) * IB, IB)

    @pl.loop(0, CHUNK)
    def _zrow(r):
        for k in range(D // L):
            r0_v[r, pl.ds(k * L, L)] = z16

    for j in range(RPT // CHUNK):
        pltpu.sync_copy(r0_v, acc_sh.at[pl.ds(s * RPT + j * CHUNK, CHUNK)])

    plsc.subcore_barrier()

    pltpu.sync_copy(src_hbm.at[_iblk(0)], sa_v)
    pltpu.sync_copy(dst_hbm.at[_iblk(0)], da_v)
    pltpu.async_copy(src_hbm.at[_iblk(1)], sb_v, ib)
    pltpu.async_copy(dst_hbm.at[_iblk(1)], db_v, ib)
    for q in range(RING):
        pltpu.async_copy(g_hbm.at[sa_v.at[pl.ds(q * CHUNK, CHUNK)]],
                         rings[q], rsems[q])

    def _block(s_cur, d_cur, s_nxt, d_nxt, sem_nxt, sem_pref, pref_b):
        @pl.loop(0, BLK // RING - 1)
        def _grp(g):
            for q in range(RING):
                j = RING * g + q
                pltpu.make_async_copy(
                    g_hbm.at[s_cur.at[pl.ds(j * CHUNK, CHUNK)]],
                    rings[q], rsems[q]).wait()
                pltpu.sync_copy(
                    rings[q], acc_sh.at[d_cur.at[pl.ds(j * CHUNK, CHUNK)]],
                    add=True)
                pltpu.async_copy(
                    g_hbm.at[s_cur.at[pl.ds((j + RING) * CHUNK, CHUNK)]],
                    rings[q], rsems[q])

        pltpu.make_async_copy(src_hbm.at[_iblk(0)], s_nxt, sem_nxt).wait()
        pltpu.make_async_copy(dst_hbm.at[_iblk(0)], d_nxt, sem_nxt).wait()
        for q in range(RING):
            j = BLK - RING + q
            pltpu.make_async_copy(
                g_hbm.at[s_cur.at[pl.ds(j * CHUNK, CHUNK)]],
                rings[q], rsems[q]).wait()
            pltpu.sync_copy(
                rings[q], acc_sh.at[d_cur.at[pl.ds(j * CHUNK, CHUNK)]],
                add=True)
            pltpu.async_copy(g_hbm.at[s_nxt.at[pl.ds(q * CHUNK, CHUNK)]],
                             rings[q], rsems[q])
        pltpu.async_copy(src_hbm.at[_iblk(pref_b)], s_cur, sem_pref)
        pltpu.async_copy(dst_hbm.at[_iblk(pref_b)], d_cur, sem_pref)

    @pl.loop(0, NBLK // 2 - 1)
    def _pair(p):
        _block(sa_v, da_v, sb_v, db_v, ib, ia, 2 * p + 2)
        _block(sb_v, db_v, sa_v, da_v, ia, ib, 2 * p + 3)

    _block(sa_v, da_v, sb_v, db_v, ib, ia, NBLK)

    @pl.loop(0, BLK // RING - 1)
    def _grp_f(g):
        for q in range(RING):
            j = RING * g + q
            pltpu.make_async_copy(
                g_hbm.at[sb_v.at[pl.ds(j * CHUNK, CHUNK)]],
                rings[q], rsems[q]).wait()
            pltpu.sync_copy(
                rings[q], acc_sh.at[db_v.at[pl.ds(j * CHUNK, CHUNK)]],
                add=True)
            pltpu.async_copy(
                g_hbm.at[sb_v.at[pl.ds((j + RING) * CHUNK, CHUNK)]],
                rings[q], rsems[q])

    for q in range(RING):
        j = BLK - RING + q
        pltpu.make_async_copy(g_hbm.at[sb_v.at[pl.ds(j * CHUNK, CHUNK)]],
                              rings[q], rsems[q]).wait()
        pltpu.sync_copy(rings[q],
                        acc_sh.at[db_v.at[pl.ds(j * CHUNK, CHUNK)]], add=True)
    pltpu.make_async_copy(src_hbm.at[_iblk(0)], sa_v, ia).wait()
    pltpu.make_async_copy(dst_hbm.at[_iblk(0)], da_v, ia).wait()

    plsc.subcore_barrier()
    pltpu.sync_copy(acc_sh.at[pl.ds(s * RPT, RPT)],
                    out_hbm.at[c, pl.ds(s * RPT, RPT)])


@jax.jit
def _msg_call(g, srcR, dstR):
    mesh = plsc.VectorSubcoreMesh(core_axis_name="c", subcore_axis_name="s",
                                  num_cores=NC, num_subcores=NS)
    return pl.kernel(
        _msg_body,
        out_type=jax.ShapeDtypeStruct((NC, NPAD, D), jnp.float32),
        mesh=mesh,
        scratch_types=[
            pltpu.VMEM((IB,), jnp.int32),
            pltpu.VMEM((IB,), jnp.int32),
            pltpu.VMEM((IB,), jnp.int32),
            pltpu.VMEM((IB,), jnp.int32),
            pltpu.VMEM((CHUNK, D), jnp.float32),
            pltpu.VMEM((CHUNK, D), jnp.float32),
            pltpu.VMEM((CHUNK, D), jnp.float32),
            pltpu.VMEM((CHUNK, D), jnp.float32),
            pltpu.VMEM((CHUNK, D), jnp.float32),
            pltpu.VMEM((CHUNK, D), jnp.float32),
            pltpu.VMEM((CHUNK, D), jnp.float32),
            pltpu.VMEM((CHUNK, D), jnp.float32),
            pltpu.VMEM((CHUNK, D), jnp.float32),
            pltpu.VMEM((CHUNK, D), jnp.float32),
            pltpu.VMEM_SHARED((NPAD, D), jnp.float32),
            pltpu.SemaphoreType.DMA,
            pltpu.SemaphoreType.DMA,
            pltpu.SemaphoreType.DMA,
            pltpu.SemaphoreType.DMA,
            pltpu.SemaphoreType.DMA,
            pltpu.SemaphoreType.DMA,
            pltpu.SemaphoreType.DMA,
            pltpu.SemaphoreType.DMA,
            pltpu.SemaphoreType.DMA,
            pltpu.SemaphoreType.DMA,
            pltpu.SemaphoreType.DMA,
            pltpu.SemaphoreType.DMA,
        ],
    )(g, srcR, dstR)



def _tc_b1_body(x_ref, w1_ref, y_ref):
    y_ref[...] = jnp.dot(x_ref[...], w1_ref[...],
                         preferred_element_type=jnp.float32)


def _tc_b2_body(degp_ref, y_ref, g1_ref, norms_ref):
    deg = jnp.sum(degp_ref[...], axis=0)
    nrm = lax.rsqrt(jnp.where(deg > 0, deg, 1.0))
    norms_ref[...] = nrm
    ns = nrm[0][:, None]
    g1_ref[...] = y_ref[...] * ns


@jax.jit
def _tc_b_call(degp, x_pad, W1):
    y = pl.pallas_call(
        _tc_b1_body,
        grid=(GRID,),
        in_specs=[
            pl.BlockSpec((NB, D), lambda i: (i, 0)),
            pl.BlockSpec((D, D), lambda i: (0, 0)),
        ],
        out_specs=pl.BlockSpec((NB, D), lambda i: (i, 0)),
        out_shape=jax.ShapeDtypeStruct((NPAD, D), jnp.float32),
    )(x_pad, W1)
    return pl.pallas_call(
        _tc_b2_body,
        grid=(GRID,),
        in_specs=[
            pl.BlockSpec((NW, 2, NB), lambda i: (0, 0, i)),
            pl.BlockSpec((NB, D), lambda i: (i, 0)),
        ],
        out_specs=[
            pl.BlockSpec((NB, D), lambda i: (i, 0)),
            pl.BlockSpec((2, NB), lambda i: (0, i)),
        ],
        out_shape=[
            jax.ShapeDtypeStruct((NPAD, D), jnp.float32),
            jax.ShapeDtypeStruct((2, NPAD), jnp.float32),
        ],
    )(degp, y)



def _tc_d_body(p_ref, norms_ref, b1_ref, w2_ref, g2_ref):
    i = pl.program_id(0)
    m = p_ref[0] + p_ref[1]
    nd = norms_ref[1][:, None]
    h = jnp.maximum(m * nd + b1_ref[...], 0.0)
    rows = i * NB + lax.broadcasted_iota(jnp.int32, (NB, 1), 0)
    h = jnp.where(rows < N, h, 0.0)
    ns = norms_ref[0][:, None]
    g2_ref[...] = jnp.dot(h * ns, w2_ref[...],
                          preferred_element_type=jnp.float32)


@jax.jit
def _tc_d_call(p, norms, b1r, W2):
    return pl.pallas_call(
        _tc_d_body,
        grid=(GRID,),
        in_specs=[
            pl.BlockSpec((NC, NB, D), lambda i: (0, i, 0)),
            pl.BlockSpec((2, NB), lambda i: (0, i)),
            pl.BlockSpec((1, D), lambda i: (0, 0)),
            pl.BlockSpec((D, D), lambda i: (0, 0)),
        ],
        out_specs=pl.BlockSpec((NB, D), lambda i: (i, 0)),
        out_shape=jax.ShapeDtypeStruct((NPAD, D), jnp.float32),
    )(p, norms, b1r, W2)



def _tc_f_body(p_ref, norms_ref, b2_ref, wg_ref, bg_ref, wo_ref, bo_ref,
               out_ref, m_s, s_s, r_v):
    i = pl.program_id(0)

    @pl.when(i == 0)
    def _init():
        m_s[0] = -jnp.inf
        s_s[0] = 0.0
        r_v[...] = jnp.zeros_like(r_v)

    m = p_ref[0] + p_ref[1]
    nd = norms_ref[1][:, None]
    h = jnp.maximum(m * nd + b2_ref[...], 0.0)
    rows = i * NB + lax.broadcasted_iota(jnp.int32, (NB, 1), 0)
    h = jnp.where(rows < N, h, 0.0)
    z = jnp.sum(h * wg_ref[...], axis=1, keepdims=True) + bg_ref[0, 0]
    z = jnp.where(rows < N, z, -jnp.inf)

    m_old = m_s[0]
    m_new = jnp.maximum(m_old, jnp.max(z))
    scale = jnp.exp(m_old - m_new)
    e = jnp.exp(z - m_new)
    s_s[0] = s_s[0] * scale + jnp.sum(e)
    r_v[...] = r_v[...] * scale + jnp.sum(e * h, axis=0, keepdims=True)
    m_s[0] = m_new

    @pl.when(i == pl.num_programs(0) - 1)
    def _fin():
        r = r_v[...] / s_s[0]
        val = jnp.sum(r * wo_ref[...]) + bo_ref[0, 0]
        out_ref[...] = jnp.full((8, 128), val, jnp.float32)


@jax.jit
def _tc_f_call(p, norms, b2r, wgr, bgr, wor, bor):
    return pl.pallas_call(
        _tc_f_body,
        grid=(GRID,),
        in_specs=[
            pl.BlockSpec((NC, NB, D), lambda i: (0, i, 0)),
            pl.BlockSpec((2, NB), lambda i: (0, i)),
            pl.BlockSpec((1, D), lambda i: (0, 0)),
            pl.BlockSpec((1, D), lambda i: (0, 0)),
            pl.BlockSpec((1, 1), lambda i: (0, 0)),
            pl.BlockSpec((1, D), lambda i: (0, 0)),
            pl.BlockSpec((1, 1), lambda i: (0, 0)),
        ],
        out_specs=pl.BlockSpec((8, 128), lambda i: (0, 0)),
        out_shape=jax.ShapeDtypeStruct((8, 128), jnp.float32),
        scratch_shapes=[
            pltpu.SMEM((1,), jnp.float32),
            pltpu.SMEM((1,), jnp.float32),
            pltpu.VMEM((1, D), jnp.float32),
        ],
    )(p, norms, b2r, wgr, bgr, wor, bor)



def kernel(x, edge_index, W1, b1, W2, b2, Wg, bg, Wo, bo):
    src = edge_index[0]
    dst = edge_index[1]
    pad = N + (jnp.arange(EPAD - E, dtype=jnp.int32) % (NPAD - N))
    src1 = jnp.concatenate([src, pad])
    dst1 = jnp.concatenate([dst, pad])
    dummy = jnp.full((NW, 1, IB), N, jnp.int32)
    srcR = jnp.concatenate([src1.reshape(NW, NBLK, IB), dummy],
                           axis=1).reshape(-1)
    dstR = jnp.concatenate([dst1.reshape(NW, NBLK, IB), dummy],
                           axis=1).reshape(-1)
    x_pad = jnp.zeros((NPAD, D), jnp.float32).at[:N].set(x)

    degp = _deg_call(src1, dst1)
    g1, norms = _tc_b_call(degp, x_pad, W1)
    p1 = _msg_call(g1, srcR, dstR)
    g2 = _tc_d_call(p1, norms, b1.reshape(1, D), W2)
    p2 = _msg_call(g2, srcR, dstR)
    buf = _tc_f_call(p2, norms, b2.reshape(1, D),
                     Wg[:, 0].reshape(1, D), bg.reshape(1, 1),
                     Wo[:, 0].reshape(1, D), bo.reshape(1, 1))
    return buf[:1, :1]

# --- scband reference (transcript-rebuilt; emitter-appended) ---
"""Pipeline reference for scband-gcn-6227702579493 (READ-ONLY COPY).

The authoritative reference and input builder live on the scoring server;
editing this copy changes nothing except your own understanding.
"""

import jax, jax.numpy as jnp
import numpy as np

N_NODES = 10000
N_EDGES = 320000
D_IN = 128
D_H = 128
N_CLS = 1


def setup_inputs(seed: int = 0) -> dict:
    key = jax.random.key(seed)
    ks = jax.random.split(key, 12)
    x = jax.random.normal(ks[0], (N_NODES, D_IN), dtype=jnp.float32)
    edge_index = jax.random.randint(ks[1], (2, N_EDGES), 0, N_NODES, dtype=jnp.int32)
    s1 = 1.0 / np.sqrt(D_IN)
    s2 = 1.0 / np.sqrt(D_H)
    W1 = jax.random.uniform(ks[2], (D_IN, D_H), jnp.float32, -s1, s1)
    b1 = jnp.zeros((D_H,), jnp.float32)
    W2 = jax.random.uniform(ks[3], (D_H, D_H), jnp.float32, -s2, s2)
    b2 = jnp.zeros((D_H,), jnp.float32)
    Wg = jax.random.uniform(ks[4], (D_H, N_CLS), jnp.float32, -s2, s2)
    bg = jnp.zeros((N_CLS,), jnp.float32)
    Wo = jax.random.uniform(ks[5], (D_H, N_CLS), jnp.float32, -s2, s2)
    bo = jnp.zeros((N_CLS,), jnp.float32)
    return {"x": x, "edge_index": edge_index, "W1": W1, "b1": b1, "W2": W2, "b2": b2, "Wg": Wg, "bg": bg, "Wo": Wo, "bo": bo}


def reference(x, edge_index, W1, b1, W2, b2, Wg, bg, Wo, bo):
    # DGL GraphConv (norm='both') x2 + GlobalAttentionPooling + output Linear,
    # treating the input as a single batched graph.
    n = x.shape[0]
    src = edge_index[0]
    dst = edge_index[1]
    ones = jnp.ones((edge_index.shape[1],), dtype=x.dtype)
    deg_out = jax.ops.segment_sum(ones, src, num_segments=n)
    deg_in = jax.ops.segment_sum(ones, dst, num_segments=n)
    norm_src = jnp.where(deg_out > 0, deg_out, 1.0) ** -0.5
    norm_dst = jnp.where(deg_in > 0, deg_in, 1.0) ** -0.5

    def gconv(h, W, b):
        h = h @ W
        h = h * norm_src[:, None]
        m = jax.ops.segment_sum(h[src], dst, num_segments=n)
        m = m * norm_dst[:, None]
        return m + b

    h = jax.nn.relu(gconv(x, W1, b1))
    h = jax.nn.relu(gconv(h, W2, b2))
    # Global attention pooling: gate_nn -> softmax over nodes -> weighted sum
    gate = h @ Wg + bg            # [N, 1]
    gate = jax.nn.softmax(gate, axis=0)
    r = jnp.sum(gate * h, axis=0, keepdims=True)  # [1, D_H]
    out = r @ Wo + bo             # [1, num_classes]
    return out

if __name__ == "__main__":
    import jax
    _d = setup_inputs()
    print(jax.jit(kernel)(*tuple(_d.values())))

</pallas_src>

<mosaic_0001>
#map = affine_map<(d0, d1) -> (0)>
#map1 = affine_map<(d0, d1) -> (0, 0, 0)>
module attributes {stable_mosaic.version = 14 : i64} {
  func.func @_deg_body(%arg0: i32, %arg1: i32, %arg2: memref<327680xi32, #tpu.memory_space<hbm>>, %arg3: memref<327680xi32, #tpu.memory_space<hbm>>, %arg4: memref<32x2x10240xf32, #tpu.memory_space<hbm>>, %arg5: memref<10240xi32, #tpu.memory_space<vmem>>, %arg6: memref<10240xi32, #tpu.memory_space<vmem>>, %arg7: memref<10240xf32, #tpu.memory_space<vmem>>, %arg8: memref<10240xf32, #tpu.memory_space<vmem>>) attributes {dimension_semantics = [#tpu.dimension_semantics<core_parallel>, #tpu.dimension_semantics<subcore_parallel>], iteration_bounds = array<i64: 2, 16>, scalar_prefetch = 0 : i64, scratch_operands = 4 : i64, tpu.core_type = #tpu.core_type<sc_vector_subcore>, window_params = [{transform_indices = #map}, {transform_indices = #map}, {transform_indices = #map1}]} {
    %mul3A = arith.constant 16 : i32
    %mul3A_0 = arith.muli %arg0, %mul3A : i32
    %add3A = arith.addi %mul3A_0, %arg1 : i32
    %broadcast_in_dim3A = arith.constant 0.000000e+00 : f32
    %broadcast_in_dim3A_1 = vector.broadcast %broadcast_in_dim3A : f32 to vector<16xf32>
    %scan3A = arith.constant 0 : i32
    %scan3A_2 = arith.constant 640 : i32
    %scan3A_3 = arith.addi %scan3A, %scan3A_2 : i32
    %scan3A_4 = arith.constant 1 : i32
    scf.for %scan3A_18 = %scan3A to %scan3A_3 step %scan3A_4  : i32 {
      %mul3A_19 = arith.constant 1 : i32
      %mul3A_20 = arith.muli %scan3A_18, %mul3A_19 : i32
      %add3A_21 = arith.constant 0 : i32
      %add3A_22 = arith.addi %add3A_21, %mul3A_20 : i32
      %mul3A_23 = arith.constant 16 : i32
      %mul3A_24 = arith.muli %add3A_22, %mul3A_23 : i32
      %swap3A = arith.index_cast %mul3A_24 : i32 to index
      %swap3A_25 = tpu.vector_load %arg7[%swap3A] {strides = array<i32>} : memref<10240xf32, #tpu.memory_space<vmem>>, vector<16xf32>,
      tpu.vector_store %arg7[%swap3A], %broadcast_in_dim3A_1 {strides = array<i32>} : memref<10240xf32, #tpu.memory_space<vmem>>, vector<16xf32>,
      %mul3A_26 = arith.constant 16 : i32
      %mul3A_27 = arith.muli %add3A_22, %mul3A_26 : i32
      %swap3A_28 = arith.index_cast %mul3A_27 : i32 to index
      %swap3A_29 = tpu.vector_load %arg8[%swap3A_28] {strides = array<i32>} : memref<10240xf32, #tpu.memory_space<vmem>>, vector<16xf32>,
      tpu.vector_store %arg8[%swap3A_28], %broadcast_in_dim3A_1 {strides = array<i32>} : memref<10240xf32, #tpu.memory_space<vmem>>, vector<16xf32>,
    }
    %scan3A_5 = arith.constant 640 : i32
    %mul3A_6 = arith.constant 10240 : i32
    %mul3A_7 = arith.muli %add3A, %mul3A_6 : i32
    "tpu.region"() ({
      %run_scoped3A_18 = tpu.sem_alloc : memref<!tpu.dma_semaphore, #tpu.memory_space<semaphore_mem>>
      %dma_start3A = tpu.memref_slice %arg2[%mul3A_7] : memref<327680xi32, #tpu.memory_space<hbm>> -> memref<10240xi32, #tpu.memory_space<hbm>>
      %dma_start3A_19 = tpu.memref_slice %arg2[%mul3A_7] : memref<327680xi32, #tpu.memory_space<hbm>> -> memref<10240xi32, #tpu.memory_space<hbm>>
      tpu.enqueue_dma source(%dma_start3A_19 : memref<10240xi32, #tpu.memory_space<hbm>>) target(%arg5 : memref<10240xi32, #tpu.memory_space<vmem>>) target_semaphore(%run_scoped3A_18 : memref<!tpu.dma_semaphore, #tpu.memory_space<semaphore_mem>>)
      %dma_wait3A = tpu.memref_slice %arg2[%mul3A_7] : memref<327680xi32, #tpu.memory_space<hbm>> -> memref<10240xi32, #tpu.memory_space<hbm>>
      %dma_wait3A_20 = tpu.memref_slice %arg2[%mul3A_7] : memref<327680xi32, #tpu.memory_space<hbm>> -> memref<10240xi32, #tpu.memory_space<hbm>>
      tpu.wait_dma2 semaphore(%run_scoped3A_18 : memref<!tpu.dma_semaphore, #tpu.memory_space<semaphore_mem>>) src(%dma_wait3A_20 : memref<10240xi32, #tpu.memory_space<hbm>>) dst(%arg5 : memref<10240xi32, #tpu.memory_space<vmem>>)
      tpu.yield
    }) : () -> ()
    %mul3A_8 = arith.constant 10240 : i32
    %mul3A_9 = arith.muli %add3A, %mul3A_8 : i32
    "tpu.region"() ({
      %run_scoped3A_18 = tpu.sem_alloc : memref<!tpu.dma_semaphore, #tpu.memory_space<semaphore_mem>>
      %dma_start3A = tpu.memref_slice %arg3[%mul3A_9] : memref<327680xi32, #tpu.memory_space<hbm>> -> memref<10240xi32, #tpu.memory_space<hbm>>
      %dma_start3A_19 = tpu.memref_slice %arg3[%mul3A_9] : memref<327680xi32, #tpu.memory_space<hbm>> -> memref<10240xi32, #tpu.memory_space<hbm>>
      tpu.enqueue_dma source(%dma_start3A_19 : memref<10240xi32, #tpu.memory_space<hbm>>) target(%arg6 : memref<10240xi32, #tpu.memory_space<vmem>>) target_semaphore(%run_scoped3A_18 : memref<!tpu.dma_semaphore, #tpu.memory_space<semaphore_mem>>)
      %dma_wait3A = tpu.memref_slice %arg3[%mul3A_9] : memref<327680xi32, #tpu.memory_space<hbm>> -> memref<10240xi32, #tpu.memory_space<hbm>>
      %dma_wait3A_20 = tpu.memref_slice %arg3[%mul3A_9] : memref<327680xi32, #tpu.memory_space<hbm>> -> memref<10240xi32, #tpu.memory_space<hbm>>
      tpu.wait_dma2 semaphore(%run_scoped3A_18 : memref<!tpu.dma_semaphore, #tpu.memory_space<semaphore_mem>>) src(%dma_wait3A_20 : memref<10240xi32, #tpu.memory_space<hbm>>) dst(%arg6 : memref<10240xi32, #tpu.memory_space<vmem>>)
      tpu.yield
    }) : () -> ()
    %broadcast_in_dim3A_10 = arith.constant 1.000000e+00 : f32
    %broadcast_in_dim3A_11 = vector.broadcast %broadcast_in_dim3A_10 : f32 to vector<16xf32>
    %scan3A_12 = arith.constant 0 : i32
    %scan3A_13 = arith.constant 640 : i32
    %scan3A_14 = arith.addi %scan3A_12, %scan3A_13 : i32
    %scan3A_15 = arith.constant 1 : i32
    scf.for %scan3A_18 = %scan3A_12 to %scan3A_14 step %scan3A_15  : i32 {
      %mul3A_19 = arith.constant 1 : i32
      %mul3A_20 = arith.muli %scan3A_18, %mul3A_19 : i32
      %add3A_21 = arith.constant 0 : i32
      %add3A_22 = arith.addi %add3A_21, %mul3A_20 : i32
      %mul3A_23 = arith.constant 16 : i32
      %mul3A_24 = arith.muli %add3A_22, %mul3A_23 : i32
      %get3A = arith.index_cast %mul3A_24 : i32 to index
      %get3A_25 = tpu.vector_load %arg5[%get3A] {strides = array<i32>} : memref<10240xi32, #tpu.memory_space<vmem>>, vector<16xi32>,
      tpu.vector_store_idx %arg7[%get3A_25], %broadcast_in_dim3A_11 {add = true} : memref<10240xf32, #tpu.memory_space<vmem>>[vector<16xi32>], vector<16xf32>,
      %mul3A_26 = arith.constant 16 : i32
      %mul3A_27 = arith.muli %add3A_22, %mul3A_26 : i32
      %get3A_28 = arith.index_cast %mul3A_27 : i32 to index
      %get3A_29 = tpu.vector_load %arg6[%get3A_28] {strides = array<i32>} : memref<10240xi32, #tpu.memory_space<vmem>>, vector<16xi32>,
      tpu.vector_store_idx %arg8[%get3A_29], %broadcast_in_dim3A_11 {add = true} : memref<10240xf32, #tpu.memory_space<vmem>>[vector<16xi32>], vector<16xf32>,
    }
    %scan3A_16 = arith.constant 640 : i32
    %run_scoped3A = arith.constant 0 : i32
    "tpu.region"() ({
      %run_scoped3A_18 = tpu.sem_alloc : memref<!tpu.dma_semaphore, #tpu.memory_space<semaphore_mem>>
      %dma_start3A = arith.constant 0 : i32
      %dma_start3A_19 = tpu.memref_slice %arg4[%add3A, %run_scoped3A, %dma_start3A] : memref<32x2x10240xf32, #tpu.memory_space<hbm>> -> memref<1x1x10240xf32, #tpu.memory_space<hbm>>
      %dma_start3A_20 = tpu.memref_squeeze %dma_start3A_19 : memref<1x1x10240xf32, #tpu.memory_space<hbm>> -> memref<10240xf32, #tpu.memory_space<hbm>>
      %dma_start3A_21 = arith.constant 0 : i32
      %dma_start3A_22 = tpu.memref_slice %arg4[%add3A, %run_scoped3A, %dma_start3A_21] : memref<32x2x10240xf32, #tpu.memory_space<hbm>> -> memref<1x1x10240xf32, #tpu.memory_space<hbm>>
      %dma_start3A_23 = tpu.memref_squeeze %dma_start3A_22 : memref<1x1x10240xf32, #tpu.memory_space<hbm>> -> memref<10240xf32, #tpu.memory_space<hbm>>
      tpu.enqueue_dma source(%arg7 : memref<10240xf32, #tpu.memory_space<vmem>>) target(%dma_start3A_23 : memref<10240xf32, #tpu.memory_space<hbm>>) target_semaphore(%run_scoped3A_18 : memref<!tpu.dma_semaphore, #tpu.memory_space<semaphore_mem>>)
      %dma_wait3A = arith.constant 0 : i32
      %dma_wait3A_24 = tpu.memref_slice %arg4[%add3A, %run_scoped3A, %dma_wait3A] : memref<32x2x10240xf32, #tpu.memory_space<hbm>> -> memref<1x1x10240xf32, #tpu.memory_space<hbm>>
      %dma_wait3A_25 = tpu.memref_squeeze %dma_wait3A_24 : memref<1x1x10240xf32, #tpu.memory_space<hbm>> -> memref<10240xf32, #tpu.memory_space<hbm>>
      %dma_wait3A_26 = arith.constant 0 : i32
      %dma_wait3A_27 = tpu.memref_slice %arg4[%add3A, %run_scoped3A, %dma_wait3A_26] : memref<32x2x10240xf32, #tpu.memory_space<hbm>> -> memref<1x1x10240xf32, #tpu.memory_space<hbm>>
      %dma_wait3A_28 = tpu.memref_squeeze %dma_wait3A_27 : memref<1x1x10240xf32, #tpu.memory_space<hbm>> -> memref<10240xf32, #tpu.memory_space<hbm>>
      tpu.wait_dma2 semaphore(%run_scoped3A_18 : memref<!tpu.dma_semaphore, #tpu.memory_space<semaphore_mem>>) src(%arg7 : memref<10240xf32, #tpu.memory_space<vmem>>) dst(%dma_wait3A_28 : memref<10240xf32, #tpu.memory_space<hbm>>)
      tpu.yield
    }) : () -> ()
    %run_scoped3A_17 = arith.constant 1 : i32
    "tpu.region"() ({
      %run_scoped3A_18 = tpu.sem_alloc : memref<!tpu.dma_semaphore, #tpu.memory_space<semaphore_mem>>
      %dma_start3A = arith.constant 0 : i32
      %dma_start3A_19 = tpu.memref_slice %arg4[%add3A, %run_scoped3A_17, %dma_start3A] : memref<32x2x10240xf32, #tpu.memory_space<hbm>> -> memref<1x1x10240xf32, #tpu.memory_space<hbm>>
      %dma_start3A_20 = tpu.memref_squeeze %dma_start3A_19 : memref<1x1x10240xf32, #tpu.memory_space<hbm>> -> memref<10240xf32, #tpu.memory_space<hbm>>
      %dma_start3A_21 = arith.constant 0 : i32
      %dma_start3A_22 = tpu.memref_slice %arg4[%add3A, %run_scoped3A_17, %dma_start3A_21] : memref<32x2x10240xf32, #tpu.memory_space<hbm>> -> memref<1x1x10240xf32, #tpu.memory_space<hbm>>
      %dma_start3A_23 = tpu.memref_squeeze %dma_start3A_22 : memref<1x1x10240xf32, #tpu.memory_space<hbm>> -> memref<10240xf32, #tpu.memory_space<hbm>>
      tpu.enqueue_dma source(%arg8 : memref<10240xf32, #tpu.memory_space<vmem>>) target(%dma_start3A_23 : memref<10240xf32, #tpu.memory_space<hbm>>) target_semaphore(%run_scoped3A_18 : memref<!tpu.dma_semaphore, #tpu.memory_space<semaphore_mem>>)
      %dma_wait3A = arith.constant 0 : i32
      %dma_wait3A_24 = tpu.memref_slice %arg4[%add3A, %run_scoped3A_17, %dma_wait3A] : memref<32x2x10240xf32, #tpu.memory_space<hbm>> -> memref<1x1x10240xf32, #tpu.memory_space<hbm>>
      %dma_wait3A_25 = tpu.memref_squeeze %dma_wait3A_24 : memref<1x1x10240xf32, #tpu.memory_space<hbm>> -> memref<10240xf32, #tpu.memory_space<hbm>>
      %dma_wait3A_26 = arith.constant 0 : i32
      %dma_wait3A_27 = tpu.memref_slice %arg4[%add3A, %run_scoped3A_17, %dma_wait3A_26] : memref<32x2x10240xf32, #tpu.memory_space<hbm>> -> memref<1x1x10240xf32, #tpu.memory_space<hbm>>
      %dma_wait3A_28 = tpu.memref_squeeze %dma_wait3A_27 : memref<1x1x10240xf32, #tpu.memory_space<hbm>> -> memref<10240xf32, #tpu.memory_space<hbm>>
      tpu.wait_dma2 semaphore(%run_scoped3A_18 : memref<!tpu.dma_semaphore, #tpu.memory_space<semaphore_mem>>) src(%arg8 : memref<10240xf32, #tpu.memory_space<vmem>>) dst(%dma_wait3A_28 : memref<10240xf32, #tpu.memory_space<hbm>>)
      tpu.yield
    }) : () -> ()
    return
  }
}

</mosaic_0001>

<sc_bundles>
// kernel: _deg_call.3.cloned.1.call-start
scs
__scs_entry_jumppad:
0x0: {  	(pc) =	sbr.rel $0x88, $3  }
0x1: {  	(tag) =	ssettag $0x0;
	lr =	simm.s32 $0x1  }
0x2: {  	[smem:$0x3F9F] =	sst lr;
	_ =	strace $0xD0000000  }
0x3: {  	_ = 	snop  }
0x4: {  	_ = 	snop  }
0x5: {  	_ = 	snop  }
0x6: {  	_ = 	snop  }
0x7: {  	_ = 	snop  }
__scs_overlays_trampoline_lowered:
0x8: {  	[smem:$0x3FAE] =	sst s0  }
0x9: {  	[smem:$0x3FAF] =	sst s1  }
0xa: {  	[smem:$0x3FB0] =	sst s2  }
0xb: {  	[smem:$0x3FB1] =	sst s3  }
0xc: {  	[smem:$0x3FB2] =	sst s4  }
0xd: {  	[smem:$0x3FB3] =	sst s5  }
0xe: {  	[smem:$0x3FB4] =	sst s6  }
0xf: {  	[smem:$0x3FB5] =	sst s7  }
0x10: {  	[smem:$0x3FB6] =	sst s8  }
0x11: {  	[smem:$0x3FB7] =	sst s9;
	s0 =	simm.s32 @!p0 $0x0  }
0x12: {  	s1 =	sld [smem:$0x3F9D];
	s0 =	simm.s32 @p0 $0x1  }
0x13: {  	[smem:$0x3FB8] =	sst s0;
	s0 =	simm.s32 @!p1 $0x0  }
0x14: {  	s2 =	sld [smem:$0x3F9C];
	s0 =	simm.s32 @p1 $0x1  }
0x15: {  	[smem:$0x3FB9] =	sst s0;
	s0 =	simm.s32 @!p2 $0x0  }
0x16: {  	s3 =	sld [smem:$0x3FDB];
	s0 =	simm.s32 @p2 $0x1  }
0x17: {  	s4 =	simm.s32 $0x1BF5;
	[smem:$0x3FBB] =	sst s0  }
0x18: {  	s0 =	sld [smem:$0x3F9E];
	_ =	swait.ge [sflag:s4], $0x0  }
0x19: {  	s7 =	sld [smem:$0x3F9F]  }
0x1a: {  	s8 =	sadd.s32 $0xFFFFE003, lr  }
0x1b: {  	s9 =	sadd.s32 $0xFFFFFEF7, lr;
	s5 =	simm.s32 $0xFFFFFFFF;
	p2 =	slt.u32 s8, $0xFFFFF086  }
0x1c: {  	p1 =	slt.u32 s9, $0xF7A;
	s5 =	simm.s32 @!p2 $0x0  }
0x1d: {  	s5 =	simm.s32 @p1 $0x1;
	p0 =	seq.s32 s7, s2  }
0x1e: {  	s7 =	smul.u32 @!p0 $0xF7A, s2;
	p2 =	seq.s32 @!p0 s5, $0x0  }
0x1f: {  	s9 =	smul.u32 $0xF7A, s1;
	s8 =	simm.s32 @!p0 $0x1BF5;
	p2 =	por !p2, p0  }
0x20: {  	[sflag:s8] =	ssyncset.s32 @!p0 $0xFFFFF086;
	s6 =	sadd.s32 @!p0 s3, s7;
	s7 =	simm.s32 @!p0 $0x108  }
0x21: {  	s3 =	sadd.s32 s3, s9;
	s6 =	sadd.s32 @!p0 $0x88, s6;
	s7 =	simm.s32 @p2 $0x1082  }
0x22: {  	[simem:s7], [sflag:s8] =	dma.local @!p0 [hbm:s6], $0xF7A  }
0x23: {  	s9 =	sor.u32 $0xD0000000, s2;
	s6 =	simm.s32 $0x108;
	_ =	swait.ge @!p0 [sflag:s8], $0x0  }
0x24: {  	s3 =	sadd.s32 $0x88, s3;
	s6 =	simm.s32 @!p1 $0x1082;
	[sflag:s4] =	ssyncset.s32 $0xFFFFF086  }
0x25: {  	[simem:s6], [sflag:s4] =	dma.local [hbm:s3], $0xF7A  }
0x26: {  	[smem:$0x3F9F] =	sst s1;
	(tag) =	ssettag s2;
	_ =	strace s9  }
0x27: {  	s1 =	sld [smem:$0x3FAF]  }
0x28: {  	s2 =	sld [smem:$0x3FB0]  }
0x29: {  	s4 =	sld [smem:$0x3FB2]  }
0x2a: {  	p0 =	seq.s32 s5, $0x0;
	s5 =	sld [smem:$0x3FB3]  }
0x2b: {  	s6 =	sld [smem:$0x3FB4]  }
0x2c: {  	s7 =	sld [smem:$0x3FB5]  }
0x2d: {  	s3 =	simm.s32 $0x108;
	s8 =	sld [smem:$0x3FB6]  }
0x2e: {  	s3 =	simm.s32 @!p0 $0x1082;
	s9 =	sld [smem:$0x3FB7]  }
0x2f: {  	lr =	sadd.s32 s0, s3;
	s0 =	sld [smem:$0x3FAE]  }
0x30: {  	s3 =	sld [smem:$0x3FB1]  }
0x31: {  	[smem:$0x3FBA] =	sst s10  }
0x32: {  	s10 =	sld [smem:$0x3FB8];
	_ =	sdelay $0x3  }
0x33: {  	p0 =	seq.s32 s10, $0x1;
	s10 =	sld [smem:$0x3FBA];
	_ =	sdelay $0x3  }
0x34: {  	[smem:$0x3FBA] =	sst s10  }
0x35: {  	s10 =	sld [smem:$0x3FB9];
	_ =	sdelay $0x3  }
0x36: {  	p1 =	seq.s32 s10, $0x1;
	s10 =	sld [smem:$0x3FBA];
	_ =	sdelay $0x3  }
0x37: {  	[smem:$0x3FBA] =	sst s10  }
0x38: {  	s10 =	sld [smem:$0x3FBB]  }
0x39: {  	_ = 	snop;
	(pc) =	sbr.ind lr, $3  }
0x3a: {  	_ = 	snop  }
0x3b: {  	_ = 	snop  }
0x3c: {  	p2 =	seq.s32 s10, $0x1;
	s10 =	sld [smem:$0x3FBA]  }
0x3d: {  	_ =	shalt  }
0x3e: {  	_ =	shalt  }
0x3f: {  	_ =	shalt  }
0x40: {  	_ =	shalt  }
0x41: {  	_ =	shalt  }
0x42: {  	_ =	shalt  }
0x43: {  	_ =	shalt  }
0x44: {  	_ =	shalt  }
0x45: {  	_ =	shalt  }
0x46: {  	_ =	shalt  }
0x47: {  	_ =	shalt  }
0x48: {  	_ =	shalt  }
0x49: {  	_ =	shalt  }
0x4a: {  	_ =	shalt  }
0x4b: {  	_ =	shalt  }
0x4c: {  	_ =	shalt  }
0x4d: {  	_ =	shalt  }
0x4e: {  	_ =	shalt  }
0x4f: {  	_ =	shalt  }
0x50: {  	_ =	shalt  }
0x51: {  	_ =	shalt  }
0x52: {  	_ =	shalt  }
0x53: {  	_ =	shalt  }
0x54: {  	_ =	shalt  }
0x55: {  	_ =	shalt  }
0x56: {  	_ =	shalt  }
0x57: {  	_ =	shalt  }
0x58: {  	_ =	shalt  }
0x59: {  	_ =	shalt  }
0x5a: {  	_ =	shalt  }
0x5b: {  	_ =	shalt  }
0x5c: {  	_ =	shalt  }
0x5d: {  	_ =	shalt  }
0x5e: {  	_ =	shalt  }
0x5f: {  	_ =	shalt  }
0x60: {  	_ =	shalt  }
0x61: {  	_ =	shalt  }
0x62: {  	_ =	shalt  }
0x63: {  	_ =	shalt  }
0x64: {  	_ =	shalt  }
0x65: {  	_ =	shalt  }
0x66: {  	_ =	shalt  }
0x67: {  	_ =	shalt  }
0x68: {  	_ =	shalt  }
0x69: {  	_ =	shalt  }
0x6a: {  	_ =	shalt  }
0x6b: {  	_ =	shalt  }
0x6c: {  	_ =	shalt  }
0x6d: {  	_ =	shalt  }
0x6e: {  	_ =	shalt  }
0x6f: {  	_ =	shalt  }
0x70: {  	_ =	shalt  }
0x71: {  	_ =	shalt  }
0x72: {  	_ =	shalt  }
0x73: {  	_ =	shalt  }
0x74: {  	_ =	shalt  }
0x75: {  	_ =	shalt  }
0x76: {  	_ =	shalt  }
0x77: {  	_ =	shalt  }
0x78: {  	_ =	shalt  }
0x79: {  	_ =	shalt  }
0x7a: {  	_ =	shalt  }
0x7b: {  	_ =	shalt  }
0x7c: {  	_ =	shalt  }
0x7d: {  	_ =	shalt  }
0x7e: {  	_ =	shalt  }
0x7f: {  	_ =	shalt  }
0x80: {  	_ =	shalt  }
0x81: {  	_ =	shalt  }
0x82: {  	_ =	shalt  }
0x83: {  	_ =	shalt  }
0x84: {  	_ =	shalt  }
0x85: {  	_ =	shalt  }
0x86: {  	_ =	shalt  }
0x87: {  	_ =	shalt  }
.Lfunc_end0:
.L_simem_size_0:
called_computation_lowered:
.L_overlay_start_0:
0x88: {  	s2 =	sld [smem:$0x3FD9]  }
0x89: {  	s3 =	sld [smem:$0x3FFE];
	_ =	sdelay $0x1  }
0x8a: {  	s1 =	srdreg.scid  }
0x8b: {  	s0 =	sand.u32 $0x1, s1  }
0x8c: {  	s18 =	sshll.u32 s0, $0xA;
	s2 =	sadd.s32 s3, s2  }
0x8d: {  	s2 =	sadd.s32 s2, s18  }
0x8e: {  	[smem:$0x3FC6] =	sst s2  }
0x8f: {  	_ = 	snop  }
0x90: {  	s2 =	sld [smem:$0x3FC9]  }
0x91: {  	s19 =	sld [smem:$0x3FC8]  }
0x92: {  	s4 =	sld [smem:$0x3FD0];
	(tm) =	ssettm $0x1  }
0x93: {  	s5 =	sld [smem:$0x3FFB];
	_ =	sdelay $0x3  }
0x94: {  	_ =	strace s5  }
0x95: {  	s5 =	sld [smem:$0x3FFC];
	_ =	sdelay $0x3  }
0x96: {  	_ =	strace s5  }
0x97: {  	s5 =	sld [smem:$0x3FFD];
	_ =	sdelay $0x3  }
0x98: {  	_ =	strace s5  }
0x99: {  	_ =	strace $0x8FFFFFFF  }
0x9a: {  	s20 =	sld [smem:$0x3FDB];
	_ =	sdelay $0x1  }
0x9b: {  	s6 =	simm.s32 $_scs_section_size  }
0x9c: {  	s7 =	simm.s32 $_size__tile_overlayer_lowered;
	s8 =	simm.s32 $_tile_overlayer_lowered  }
0x9d: {  	s23 =	simm.s32 $0x1BFF;
	s22 =	sshll.u32 s8, $0x1;
	s5 =	sadd.s32 s6, s20  }
0x9e: {  	s9 =	simm.s32 $0x0;
	s21 =	sshll.u32 s7, $0x1;
	s7 =	sadd.s32 s22, s5  }
0x9f: {  	[timem:s9], [sflag:s23] =	dma.local [hbm:s7], s21  }
0xa0: {  	_ =	swait.ge [sflag:s23], s21  }
0xa1: {  	s6 =	ssub.s32 $0x0, s21;
	[sflag:s23] =	ssyncset.done $0x0  }
0xa2: {  	[sflag:s23] =	ssyncadd.s32 s6;
	_ =	sdelay $0x1  }
0xa3: {  	s24 =	simm.s32 $0x1B8B  }
0xa4: {  	_ =	swait.ge [sflag:s24], $0x1  }
0xa5: {  	[sflag:s24] =	ssyncset.done $0x0  }
0xa6: {  	s25 =	simm.s32 $0x1B8E;
	[sflag:s24] =	ssyncadd.s32 $0xFFFFFFFF  }
0xa7: {  	s26 =	simm.s32 $execute0_lowered;
	[smem:$0x3FD2] =	sst s25  }
0xa8: {  	s6 =	sshll.u32 s26, $0x1;
	_ =	strace $0x80000046;
	[dreg:$0x1] =	wrdreg $0xFFFFFFFF  }
0xa9: {  	s28 =	simm.s32 $_size_execute0_lowered;
	s5 =	sadd.s32 s5, s6;
	[dreg:$0x0] =	wrdreg $0x0  }
0xaa: {  	s6 =	sshll.u32 s28, $0x1;
	[dreg:$0x2] =	wrdreg s5  }
0xab: {  	[dreg:$0x3] =	wrdreg s6  }
0xac: {  	[dreg:$0x4] =	wrdreg $0xC0  }
0xad: {  	_ =	task [dreg:s9], $0x5FFFF  }
0xae: {  	[dreg:$0x1] =	wrdreg $0xFFFFFFFF  }
0xaf: {  	[dreg:$0x0] =	wrdreg $0x60  }
0xb0: {  	[dreg:$0x2] =	wrdreg s2  }
0xb1: {  	[dreg:$0x3] =	wrdreg s19  }
0xb2: {  	[dreg:$0x4] =	wrdreg s4  }
0xb3: {  	[dreg:$0x5] =	wrdreg $0x9  }
0xb4: {  	_ =	task.clear_ibuf [dreg:s9], $0x6FFFF;
	_ =	strace $0x90000046  }
0xb5: {  	s29 =	simm.s32 $0x9;
	_ =	strace $0x80000048  }
0xb6: {  	_ =	swait.ge [sflag:s29], $0x1  }
0xb7: {  	[sflag:s29] =	ssyncadd.s32 $0xFFFFFFFF  }
0xb8: {  	_ =	strace $0x90000048  }
0xb9: {  	_ =	sfence  }
0xba: {  	s30 =	sld [smem:$0x0];
	_ =	sdelay $0x2  }
0xbb: {  	s31 =	sshll.u32 s1, $0xD;
	s1 =	sshrl.u32 s1, $0x2  }
0xbc: {  	s3 =	sand.u32 $0x4000, s31;
	s1 =	sadd.s32 s1, s30  }
0xbd: {  	s0 =	sor.u32 s3, s0;
	s1 =	sshll.u32 s1, $0x11  }
0xbe: {  	s0 =	sor.u32 s1, s0  }
0xbf: {  	s0 =	sadd.s32 $0x8F2B, s0  }
0xc0: {  	[sflag:s0] =	ssyncadd.remote.s32 $0x1  }
0xc1: {  	_ =	sfence.sel $0xFFFF  }
0xc2: {  	[dreg:$0x0] =	wrdreg $0xFFFFFFFF;
	(pc) =	sbr.abs _section_cstart, $3  }
0xc3: {  	[dreg:$0x1] =	wrdreg $0xFFFFFFFF  }
0xc4: {  	_ =	task.clear_ibuf [dreg:s9], $0x2FFFF;
	_ =	strace $0x9FFFFFFF  }
0xc5: {  	(tm) =	ssettm $0x7FFFFFFF  }
tec
execute0_lowered:
.L_overlay_start_1:
0x0: {  	(tag) =	ssettag $0x1  }
0x1: {  	s3 =	rddreg [dreg:$0x0]  }
0x2: {  	s5 =	rddreg [dreg:$0x1]  }
0x3: {  	s0 =	srdreg.scid;
	s6 =	rddreg [dreg:$0x2]  }
0x4: {  	s2 =	simm.s32 $0x0;
	s10 =	simm.s32 $0x5000;
	s4 =	sand.u32 $0x1, s0  }
0x5: {  	s11 =	simm.s32 $0x7800;
	s0 =	stileid.u32;
	s1 =	sshll.u32 s4, $0x4  }
0x6: {  	s12 =	simm.s32 $0x80;
	s13 =	simm.s32 $0x100;
	s7 =	sor.u32 s0, s1  }
0x7: {  	[smem:$0x7FF] =	sst s2;
	s4 =	ssub.s32 $0x2, s4;
	s8 =	smul.u32 $0x500, s7  }
0x8: {  	s1 =	rddreg [dreg:$0x3];
	s9 =	sshrl.u32 s4, $0x1;
	s7 =	smul.u32 $0xA00, s7  }
0x9: {  	_ =	strace $0x80000047;
	s9 =	ssub.s32 s4, s9;
	s3 =	sadd.s32 s3, s8  }
0xa: {  	s4 =	sadd.s32 s6, s7;
	s5 =	sadd.s32 s5, s8;
	s7 =	smax.u32 s9, $0x1  }
0xb: {  	v0 =	vimm.f32 $0.0e+00;
	v1 =	vimm.f32 $1.000000000e+00;
	s8 =	simm.s32 $0x1;
	s9 =	simm.s32 $0x2800;
	s6 =	sadd.s32 $0x10, s4  }
.LBB2_1:
0xc: {  	s14 =	simm.s32 $0x40;
	s15 =	simm.s32 $0x0  }
.LBB2_2:
0xd: {  	p0 =	sne.s32 s14, $0x9FC0;
	[tilespmem:s15+$0x5000] =	vst v0;
	s16 =	smov.u32 s14;
	s14 =	sadd.s32 $0x40, s14  }
.Ltmp0:
0xe: {  	[tilespmem:s15+$0x7800] =	vst v0;
	(pc) =	sbr.rel @p0 .LBB2_2-.Ltmp0, $2  }
0xf: {  	_ =	sdelay $0x2  }
0x10: {  	s15 =	sshra.s32 s16, $0x2  }
0x11: {  	[tilespmem:s15+$0x5000] =	vst v0  }
0x12: {  	[tilespmem:s15+$0x7800] =	vst v0;
	s14 =	simm.s32 $0x0  }
0x13: {  	[tilespmem:s14], [sflag:$0x1] =	stream.linear.gather [hbm4b:s3+s14], $0x2800, $0x38;
	[tilespmem:$0xA000] =	vst v63  }
0x14: {  	_ =	swait.ge [sflag:s8], $0x2800  }
0x15: {  	[sflag:s8] =	ssyncset.done $0x0  }
0x16: {  	[sflag:s8] =	ssyncadd.s32 $0xFFFFD800  }
0x17: {  	[tilespmem:s9], [sflag:$0x1] =	stream.linear.gather [hbm4b:s5+s14], $0x2800, $0x38;
	[tilespmem:$0xA000] =	vst v63  }
0x18: {  	_ =	swait.ge [sflag:s8], $0x2800  }
0x19: {  	[sflag:s8] =	ssyncset.done $0x0  }
0x1a: {  	s15 =	simm.s32 $0x0;
	s14 =	simm.s32 $0x40;
	[sflag:s8] =	ssyncadd.s32 $0xFFFFD800  }
.LBB2_4:
0x1b: {  	p0 =	sne.s32 s14, $0x9FC0;
	v2 =	vld [tilespmem:s15+$0x0];
	_ =	sdelay $0x7  }
0x1c: {  	[tilespmem:v2+s10+$0x0] =	vst.idx.add.f32.msk $0xffff, v1  }
0x1d: {  	v2 =	vld [tilespmem:s15+$0x2800];
	_ =	sdelay $0x3  }
.Ltmp1:
0x1e: {  	(pc) =	sbr.rel @p0 .LBB2_4-.Ltmp1, $2  }
0x1f: {  	_ =	sdelay $0x2  }
0x20: {  	s15 =	sshra.s32 s14, $0x2;
	s14 =	sadd.s32 $0x40, s14;
	[tilespmem:v2+s11+$0x0] =	vst.idx.add.f32.msk $0xffff, v1  }
0x21: {  	v2 =	vld [tilespmem:s15+$0x0];
	_ =	sdelay $0x7  }
0x22: {  	[tilespmem:v2+s10+$0x0] =	vst.idx.add.f32.msk $0xffff, v1  }
0x23: {  	v2 =	vld [tilespmem:s15+$0x2800];
	_ =	sdelay $0x7  }
0x24: {  	[tilespmem:v2+s11+$0x0] =	vst.idx.add.f32.msk $0xffff, v1  }
0x25: {  	[hbm4b:s4+s12] =	stream.strided.scatter [tilespmem:s10], [sflag:$0x1], $0x2800, s13, s12, $0x38;
	[tilespmem:$0xA000] =	vst v63  }
0x26: {  	s2 =	sadd.s32 $0x1, s2;
	_ =	swait.ge [sflag:s8], $0x2800  }
0x27: {  	p0 =	sne.s32 s2, s7;
	[sflag:s8] =	ssyncset.done $0x0  }
.Ltmp2:
0x28: {  	[sflag:s8] =	ssyncadd.s32 $0xFFFFD800;
	(pc) =	sbr.rel @p0 .LBB2_1-.Ltmp2, $4  }
0x29: {  	[hbm4b:s6+s12] =	stream.strided.scatter [tilespmem:s11], [sflag:$0x1], $0x2800, s13, s12, $0x38;
	[tilespmem:$0xA000] =	vst v63  }
0x2a: {  	_ =	swait.ge [sflag:s8], $0x2800  }
0x2b: {  	[sflag:s8] =	ssyncset.done $0x0  }
0x2c: {  	[sflag:s8] =	ssyncadd.s32 $0xFFFFD800  }
0x2d: {  	_ =	sfence.sel $0x180000  }
0x2e: {  	[bflag:$0x0] =	sbarrier.arrive $0xFFFF  }
0x2f: {  	p0 =	sne.s32 s0, $0x0;
	_ =	strace $0x90000047  }
0x30: {  	s0 =	sadd.s32 @!p0 $0x100000, s1;
	[bflag:$0x2] =	sbarrier.arrive $0xFFFF  }
0x31: {  	[sflag:s0] =	ssyncadd.tile.s32 @!p0 $0x1;
	_ =	shalt  }
.Lfunc_end2:
_tile_overlayer_lowered:
.L_overlay_start_2:
0x32: {  	(tag) =	ssettag $0x2  }
0x33: {  	s0 =	rddreg [dreg:$0x0];
	s2 =	stileid.u32  }
0x34: {  	s1 =	rddreg [dreg:$0x1];
	p0 =	sne.s32 s2, $0x0  }
0x35: {  	s3 =	rddreg [dreg:$0x2];
	[bflag:$0x3] =	sbarrier.arrive $0xFFFF;
	s2 =	simm.s32 @!p0 $0x1C01  }
0x36: {  	[timem:s3], [sflag:s2] =	dma.local @!p0 [hbm:s0], s1  }
0x37: {  	s0 =	simm.s32 @!p0 $0x1  }
0x38: {  	_ =	swait.ge @!p0 [sflag:s0], s1  }
0x39: {  	s1 =	ssub.s32 @!p0 $0x0, s1;
	[sflag:s0] =	ssyncset.done @!p0 $0x0  }
0x3a: {  	[sflag:s0] =	ssyncadd.s32 @!p0 s1  }
0x3b: {  	[bflag:$0x3] =	sbarrier.arrive $0xFFFF  }
0x3c: {  	_ =	shalt  }

</sc_bundles>
